<compile_context>
chip_gen: v7x
topology: tpu7x:2x2x1
jax: 0.10.2.dev20260603
libtpu: 0.0.44.dev20260713+nightly
codegen_flags: <defaults>
</compile_context>

<pallas_src>
import functools

import jax
import jax.numpy as jnp
from jax import lax
from jax.experimental import pallas as pl
from jax.experimental.pallas import tpu as pltpu
from jax.experimental.pallas import tpu_sc as plsc

_E = 64
_NZ = 8
_TILE = 8
_P = 768
_NC = 2
_NS = 16
_NW = _NC * _NS


def _router_body(x_ref, w1_ref, b1_ref, w2_ref, b2_ref, gw_ref, u_ref,
                 alpha_ref, gum_ref, pos_ref, mp_ref, starts_ref,
                 ntiles_ref, rws_ref):
    f32 = jnp.float32
    x = x_ref[...]
    T = x.shape[0]

    a1 = lax.dot_general(x, w1_ref[...], (((1,), (1,)), ((), ()))) + b1_ref[...]
    h = a1 / (1.0 + jnp.exp(-a1))
    zlog = lax.dot_general(h, w2_ref[...], (((1,), (1,)), ((), ()))) + b2_ref[...]

    g = zlog + gum_ref[...]
    gmax = jnp.max(g, axis=1, keepdims=True)
    iotz = lax.broadcasted_iota(jnp.int32, (T, _NZ), 1)
    zidx = jnp.min(jnp.where(g == gmax, iotz, _NZ), axis=1, keepdims=True)
    zoh = (iotz == zidx).astype(f32)
    zbias = lax.dot_general(zoh, u_ref[...], (((1,), (0,)), ((), ())))

    logits = lax.dot_general(x, gw_ref[...], (((1,), (1,)), ((), ())))
    logits = logits + alpha_ref[0, 0] * zbias
    lmax = jnp.max(logits, axis=1, keepdims=True)
    el = jnp.exp(logits - lmax)
    probs = el / jnp.sum(el, axis=1, keepdims=True)
    pmax = jnp.max(probs, axis=1, keepdims=True)
    iote = lax.broadcasted_iota(jnp.int32, (T, _E), 1)
    sel = jnp.min(jnp.where(probs == pmax, iote, _E), axis=1, keepdims=True)
    sel_oh = (iote == sel).astype(f32)

    def rnd(v):
        return jnp.floor(v + 0.5)

    ones_row = jnp.ones((1, T), f32)
    counts = rnd(lax.dot_general(ones_row, sel_oh, (((1,), (0,)), ((), ()))))
    ptiles = jnp.floor((counts + (_TILE - 1)) * (1.0 / _TILE))
    pc = ptiles * _TILE
    ia = lax.broadcasted_iota(jnp.int32, (_E, _E), 0)
    ib = lax.broadcasted_iota(jnp.int32, (_E, _E), 1)
    tri = (ia < ib).astype(f32)
    pstarts = rnd(lax.dot_general(pc, tri, (((1,), (0,)), ((), ()))))

    eqf = lax.dot_general(sel_oh, sel_oh, (((1,), (1,)), ((), ())))
    it0 = lax.broadcasted_iota(jnp.int32, (T, T), 0)
    it1 = lax.broadcasted_iota(jnp.int32, (T, T), 1)
    lt2 = (it0 < it1).astype(f32)
    rank_row = lax.dot_general(ones_row, eqf * lt2, (((1,), (0,)), ((), ())))

    pstart_sel = lax.dot_general(sel_oh, pstarts, (((1,), (1,)), ((), ())))
    eye = (it0 == it1).astype(f32)
    pos_row = rnd(
        lax.dot_general(ones_row, eye * pstart_sel, (((1,), (0,)), ((), ())))
        + rank_row)

    mp = (lax.broadcasted_iota(jnp.int32, (_P, T), 0).astype(f32)
          == pos_row).astype(f32)
    hi = lax.Precision.HIGHEST
    rws_col = lax.dot_general(mp, pmax, (((1,), (0,)), ((), ())), precision=hi)

    pos_ref[...] = pos_row.astype(jnp.int32)
    mp_ref[...] = mp
    starts_ref[...] = pstarts.astype(jnp.int32)
    ntiles_ref[...] = ptiles.astype(jnp.int32)
    rws_ref[...] = rws_col


def _router(flat, W1, b1r, W2, b2r, gate_w, U, alpha_r, gumbel):
    T = flat.shape[0]
    return pl.pallas_call(
        _router_body,
        out_shape=(
            jax.ShapeDtypeStruct((1, T), jnp.int32),
            jax.ShapeDtypeStruct((_P, T), jnp.float32),
            jax.ShapeDtypeStruct((1, _E), jnp.int32),
            jax.ShapeDtypeStruct((1, _E), jnp.int32),
            jax.ShapeDtypeStruct((_P, 1), jnp.float32),
        ),
        in_specs=[
            pl.BlockSpec(memory_space=pltpu.VMEM),
            pl.BlockSpec(memory_space=pltpu.VMEM),
            pl.BlockSpec(memory_space=pltpu.VMEM),
            pl.BlockSpec(memory_space=pltpu.VMEM),
            pl.BlockSpec(memory_space=pltpu.VMEM),
            pl.BlockSpec(memory_space=pltpu.VMEM),
            pl.BlockSpec(memory_space=pltpu.VMEM),
            pl.BlockSpec(memory_space=pltpu.SMEM),
            pl.BlockSpec(memory_space=pltpu.VMEM),
        ],
        out_specs=(
            pl.BlockSpec(memory_space=pltpu.VMEM),
            pl.BlockSpec(memory_space=pltpu.VMEM),
            pl.BlockSpec(memory_space=pltpu.VMEM),
            pl.BlockSpec(memory_space=pltpu.VMEM),
            pl.BlockSpec(memory_space=pltpu.VMEM),
        ),
    )(flat, W1, b1r, W2, b2r, gate_w, U, alpha_r, gumbel)


def _sc_gather(idx, table, n_rows):
    d = table.shape[1]
    rpt = n_rows // _NW
    mesh = plsc.VectorSubcoreMesh(core_axis_name="c", subcore_axis_name="s")

    @functools.partial(
        pl.kernel,
        out_type=jax.ShapeDtypeStruct((n_rows, d), table.dtype),
        mesh=mesh,
        scratch_types=[
            pltpu.VMEM((rpt,), jnp.int32),
            pltpu.VMEM((rpt, d), table.dtype),
            pltpu.SemaphoreType.DMA,
        ],
    )
    def gather_k(idx_hbm, table_hbm, out_hbm, idx_v, rows_v, sem):
        wid = lax.axis_index("s") * _NC + lax.axis_index("c")
        base = wid * rpt
        pltpu.sync_copy(idx_hbm.at[pl.ds(base, rpt)], idx_v)
        copies = [
            pltpu.async_copy(
                table_hbm.at[idx_v.at[pl.ds(j * 8, 8)]],
                rows_v.at[pl.ds(j * 8, 8)], sem)
            for j in range(rpt // 8)
        ]
        for c in copies:
            c.wait()
        pltpu.sync_copy(rows_v, out_hbm.at[pl.ds(base, rpt)])

    return gather_k(idx, table)


def _expert_body(starts_ref, ntiles_ref, flat_ref, mp_ref, wg_ref, wu_ref,
                 wd_ref, rws_ref, out_ref):
    e = pl.program_id(0)
    start = starts_ref[0, e]
    nt = ntiles_ref[0, e]
    wg = wg_ref[0]
    wu = wu_ref[0]
    wd = wd_ref[0]

    def tile_body(i, carry):
        off = pl.multiple_of(start + i * _TILE, _TILE)
        g8 = mp_ref[pl.ds(off, _TILE), :]
        x8 = lax.dot_general(g8, flat_ref[...], (((1,), (0,)), ((), ())),
                             precision=lax.Precision.HIGHEST)
        gg = lax.dot_general(x8, wg, (((1,), (1,)), ((), ())))
        uu = lax.dot_general(x8, wu, (((1,), (1,)), ((), ())))
        hh = gg / (1.0 + jnp.exp(-gg)) * uu
        yy = lax.dot_general(hh, wd, (((1,), (1,)), ((), ())))
        out_ref[pl.ds(off, _TILE), :] = yy * rws_ref[pl.ds(off, _TILE), :]
        return carry

    lax.fori_loop(0, nt, tile_body, 0)


def _experts(flat, mp, w_gate, w_up, w_down, rws, pstarts, ntiles):
    dff, d = w_gate.shape[1], w_gate.shape[2]
    t = flat.shape[0]
    return pl.pallas_call(
        _expert_body,
        grid=(_E,),
        out_shape=jax.ShapeDtypeStruct((_P, d), jnp.float32),
        in_specs=[
            pl.BlockSpec(memory_space=pltpu.SMEM),
            pl.BlockSpec(memory_space=pltpu.SMEM),
            pl.BlockSpec((t, d), lambda e: (0, 0)),
            pl.BlockSpec((_P, t), lambda e: (0, 0)),
            pl.BlockSpec((1, dff, d), lambda e: (e, 0, 0)),
            pl.BlockSpec((1, dff, d), lambda e: (e, 0, 0)),
            pl.BlockSpec((1, d, dff), lambda e: (e, 0, 0)),
            pl.BlockSpec((_P, 1), lambda e: (0, 0)),
        ],
        out_specs=pl.BlockSpec((_P, d), lambda e: (0, 0)),
        compiler_params=pltpu.CompilerParams(
            dimension_semantics=("arbitrary",),
        ),
    )(pstarts, ntiles, flat, mp, w_gate, w_up, w_down, rws)


def kernel(hidden_states, W1, b1, W2, b2, gate_w, U, alpha, w_gate, w_up,
           w_down, gumbel):
    bq, sq, d = hidden_states.shape
    flat = hidden_states.reshape(-1, d)
    b1r = b1.reshape(1, -1)
    b2r = b2.reshape(1, -1)
    alpha_r = jnp.asarray(alpha, jnp.float32).reshape(1, 1)

    pos, mp, pstarts, ntiles, rws = _router(
        flat, W1, b1r, W2, b2r, gate_w, U, alpha_r, gumbel)
    out_sorted = _experts(flat, mp, w_gate, w_up, w_down, rws, pstarts, ntiles)
    out = _sc_gather(pos.reshape(-1), out_sorted, flat.shape[0])
    return out.reshape(bq, sq, d)

# --- scband reference (transcript-rebuilt; emitter-appended) ---
"""Pipeline reference for scband-cross-layer-shared-zolmoe-sparse-moe-block-54597624267125 (READ-ONLY COPY).

The authoritative reference and input builder live on the scoring server;
editing this copy changes nothing except your own understanding.
"""

import jax, jax.numpy as jnp
import numpy as np

E = 64
TOPK = 1
D = 1024
DFF = 512
NZ = 8
MLPH = 256
B = 32
S = 8
TAU = 1.0
ALPHA = 0.001
NORM_TOPK = False


def setup_inputs(seed: int = 0) -> dict:
    key = jax.random.key(seed)
    ks = jax.random.split(key, 10)
    T = B * S
    hidden_states = jax.random.normal(ks[0], (B, S, D), dtype=jnp.float32)
    W1 = jax.random.normal(ks[1], (MLPH, D), dtype=jnp.float32) * 0.02
    b1 = jnp.zeros((MLPH,), dtype=jnp.float32)
    W2 = jax.random.normal(ks[2], (NZ, MLPH), dtype=jnp.float32) * 0.02
    b2 = jnp.zeros((NZ,), dtype=jnp.float32)
    gate_w = jax.random.normal(ks[3], (E, D), dtype=jnp.float32) * 0.02
    U = jax.random.normal(ks[4], (NZ, E), dtype=jnp.float32) * 0.02
    alpha = jnp.array(ALPHA, dtype=jnp.float32)
    w_gate = jax.random.normal(ks[5], (E, DFF, D), dtype=jnp.float32) * 0.02
    w_up = jax.random.normal(ks[6], (E, DFF, D), dtype=jnp.float32) * 0.02
    w_down = jax.random.normal(ks[7], (E, D, DFF), dtype=jnp.float32) * 0.02
    u = jax.random.uniform(ks[8], (T, NZ), minval=1e-6, maxval=1.0 - 1e-6)
    gumbel = -jnp.log(-jnp.log(u))
    return {"hidden_states": hidden_states, "W1": W1, "b1": b1, "W2": W2, "b2": b2,
            "gate_w": gate_w, "U": U, "alpha": alpha, "w_gate": w_gate, "w_up": w_up,
            "w_down": w_down, "gumbel": gumbel}


def _silu(x):
    return x * jax.nn.sigmoid(x)


def reference(hidden_states, W1, b1, W2, b2, gate_w, U, alpha, w_gate, w_up, w_down, gumbel):
    Bq, Sq, Dm = hidden_states.shape
    flat = hidden_states.reshape(-1, Dm)
    # SharedZPredictor: Linear -> SiLU -> Linear
    h = _silu(flat @ W1.T + b1)
    z_logits = h @ W2.T + b2
    # gumbel_softmax(hard=True) with precomputed gumbel noise (straight-through)
    y_soft = jax.nn.softmax((z_logits.astype(jnp.float32) + gumbel) / TAU, axis=-1)
    idx = jnp.argmax(y_soft, axis=-1)
    y_hard = jax.nn.one_hot(idx, NZ, dtype=y_soft.dtype)
    z = (y_hard + y_soft - jax.lax.stop_gradient(y_soft)).astype(flat.dtype)
    # router logits + shared-z bias
    router_logits = flat @ gate_w.T
    router_bias = z @ U
    scaled_bias = alpha * router_bias
    router_logits = router_logits + scaled_bias
    routing_weights = jax.nn.softmax(router_logits.astype(jnp.float32), axis=-1)
    rw_topk, sel = jax.lax.top_k(routing_weights, TOPK)
    if NORM_TOPK:
        rw_topk = rw_topk / jnp.sum(rw_topk, axis=-1, keepdims=True)
    rw_topk = rw_topk.astype(flat.dtype)
    # OLMoE experts: SwiGLU MLP per expert, combine weighted top-k outputs
    hg = jnp.einsum('td,efd->tef', flat, w_gate)
    hu = jnp.einsum('td,efd->tef', flat, w_up)
    hh = _silu(hg) * hu
    out_e = jnp.einsum('tef,edf->ted', hh, w_down)
    comb = (jax.nn.one_hot(sel, E, dtype=flat.dtype) * rw_topk[..., None]).sum(axis=1)
    final = jnp.einsum('te,ted->td', comb, out_e)
    return final.reshape(Bq, Sq, Dm)

if __name__ == "__main__":
    import jax
    _d = setup_inputs()
    print(jax.jit(kernel)(*tuple(_d.values())))

</pallas_src>

<mosaic_0001>
#map = affine_map<(d0, d1) -> (0)>
#map1 = affine_map<(d0, d1) -> (0, 0)>
module attributes {stable_mosaic.version = 14 : i64} {
  func.func @gather_k(%arg0: i32, %arg1: i32, %arg2: memref<256xi32, #tpu.memory_space<hbm>>, %arg3: memref<768x1024xf32, #tpu.memory_space<hbm>>, %arg4: memref<256x1024xf32, #tpu.memory_space<hbm>>, %arg5: memref<8xi32, #tpu.memory_space<vmem>>, %arg6: memref<8x1024xf32, #tpu.memory_space<vmem>>, %arg7: memref<!tpu.dma_semaphore, #tpu.memory_space<semaphore_mem>>) attributes {dimension_semantics = [#tpu.dimension_semantics<core_parallel>, #tpu.dimension_semantics<subcore_parallel>], iteration_bounds = array<i64: 2, 16>, scalar_prefetch = 0 : i64, scratch_operands = 3 : i64, tpu.core_type = #tpu.core_type<sc_vector_subcore>, window_params = [{transform_indices = #map}, {transform_indices = #map1}, {transform_indices = #map1}]} {
    %mul3A = arith.constant 2 : i32
    %mul3A_0 = arith.muli %arg1, %mul3A : i32
    %add3A = arith.addi %mul3A_0, %arg0 : i32
    %mul3A_1 = arith.constant 8 : i32
    %mul3A_2 = arith.muli %add3A, %mul3A_1 : i32
    "tpu.region"() ({
      %run_scoped3A = tpu.sem_alloc : memref<!tpu.dma_semaphore, #tpu.memory_space<semaphore_mem>>
      %dma_start3A_17 = tpu.memref_slice %arg2[%mul3A_2] : memref<256xi32, #tpu.memory_space<hbm>> -> memref<8xi32, #tpu.memory_space<hbm>>
      %dma_start3A_18 = tpu.memref_slice %arg2[%mul3A_2] : memref<256xi32, #tpu.memory_space<hbm>> -> memref<8xi32, #tpu.memory_space<hbm>>
      tpu.enqueue_dma source(%dma_start3A_18 : memref<8xi32, #tpu.memory_space<hbm>>) target(%arg5 : memref<8xi32, #tpu.memory_space<vmem>>) target_semaphore(%run_scoped3A : memref<!tpu.dma_semaphore, #tpu.memory_space<semaphore_mem>>)
      %dma_wait3A_19 = tpu.memref_slice %arg2[%mul3A_2] : memref<256xi32, #tpu.memory_space<hbm>> -> memref<8xi32, #tpu.memory_space<hbm>>
      %dma_wait3A_20 = tpu.memref_slice %arg2[%mul3A_2] : memref<256xi32, #tpu.memory_space<hbm>> -> memref<8xi32, #tpu.memory_space<hbm>>
      tpu.wait_dma2 semaphore(%run_scoped3A : memref<!tpu.dma_semaphore, #tpu.memory_space<semaphore_mem>>) src(%dma_wait3A_20 : memref<8xi32, #tpu.memory_space<hbm>>) dst(%arg5 : memref<8xi32, #tpu.memory_space<vmem>>)
      tpu.yield
    }) : () -> ()
    %dma_start3A = arith.constant 0 : i32
    %dma_start3A_3 = arith.constant 0 : i32
    %dma_start3A_4 = tpu.memref_slice %arg6[%dma_start3A, %dma_start3A_3] : memref<8x1024xf32, #tpu.memory_space<vmem>> -> memref<8x1024xf32, #tpu.memory_space<vmem>>
    %dma_start3A_5 = arith.constant 0 : i32
    %dma_start3A_6 = tpu.memref_slice %arg5[%dma_start3A_5] : memref<8xi32, #tpu.memory_space<vmem>> -> memref<8xi32, #tpu.memory_space<vmem>>
    %dma_start3A_7 = arith.constant 0 : i32
    %dma_start3A_8 = arith.constant 0 : i32
    %dma_start3A_9 = tpu.memref_slice %arg3[%dma_start3A_7, %dma_start3A_8] : memref<768x1024xf32, #tpu.memory_space<hbm>> -> memref<768x1024xf32, #tpu.memory_space<hbm>>
    tpu.enqueue_indirect_dma source(%dma_start3A_9 : memref<768x1024xf32, #tpu.memory_space<hbm>>) target(%dma_start3A_4 : memref<8x1024xf32, #tpu.memory_space<vmem>>) offsets(%dma_start3A_6 : memref<8xi32, #tpu.memory_space<vmem>>) semaphore(%arg7 : memref<!tpu.dma_semaphore, #tpu.memory_space<semaphore_mem>>)
    %dma_wait3A = arith.constant 0 : i32
    %dma_wait3A_10 = arith.constant 0 : i32
    %dma_wait3A_11 = tpu.memref_slice %arg6[%dma_wait3A, %dma_wait3A_10] : memref<8x1024xf32, #tpu.memory_space<vmem>> -> memref<8x1024xf32, #tpu.memory_space<vmem>>
    %dma_wait3A_12 = arith.constant 0 : i32
    %dma_wait3A_13 = tpu.memref_slice %arg5[%dma_wait3A_12] : memref<8xi32, #tpu.memory_space<vmem>> -> memref<8xi32, #tpu.memory_space<vmem>>
    %dma_wait3A_14 = arith.constant 0 : i32
    %dma_wait3A_15 = arith.constant 0 : i32
    %dma_wait3A_16 = tpu.memref_slice %arg3[%dma_wait3A_14, %dma_wait3A_15] : memref<768x1024xf32, #tpu.memory_space<hbm>> -> memref<768x1024xf32, #tpu.memory_space<hbm>>
    tpu.wait_indirect_dma semaphore(%arg7 : memref<!tpu.dma_semaphore, #tpu.memory_space<semaphore_mem>>) src(%dma_wait3A_16 : memref<768x1024xf32, #tpu.memory_space<hbm>>) dst(%dma_wait3A_11 : memref<8x1024xf32, #tpu.memory_space<vmem>>)
    "tpu.region"() ({
      %run_scoped3A = tpu.sem_alloc : memref<!tpu.dma_semaphore, #tpu.memory_space<semaphore_mem>>
      %dma_start3A_17 = arith.constant 0 : i32
      %dma_start3A_18 = tpu.memref_slice %arg4[%mul3A_2, %dma_start3A_17] : memref<256x1024xf32, #tpu.memory_space<hbm>> -> memref<8x1024xf32, #tpu.memory_space<hbm>>
      %dma_start3A_19 = arith.constant 0 : i32
      %dma_start3A_20 = tpu.memref_slice %arg4[%mul3A_2, %dma_start3A_19] : memref<256x1024xf32, #tpu.memory_space<hbm>> -> memref<8x1024xf32, #tpu.memory_space<hbm>>
      tpu.enqueue_dma source(%arg6 : memref<8x1024xf32, #tpu.memory_space<vmem>>) target(%dma_start3A_20 : memref<8x1024xf32, #tpu.memory_space<hbm>>) target_semaphore(%run_scoped3A : memref<!tpu.dma_semaphore, #tpu.memory_space<semaphore_mem>>)
      %dma_wait3A_21 = arith.constant 0 : i32
      %dma_wait3A_22 = tpu.memref_slice %arg4[%mul3A_2, %dma_wait3A_21] : memref<256x1024xf32, #tpu.memory_space<hbm>> -> memref<8x1024xf32, #tpu.memory_space<hbm>>
      %dma_wait3A_23 = arith.constant 0 : i32
      %dma_wait3A_24 = tpu.memref_slice %arg4[%mul3A_2, %dma_wait3A_23] : memref<256x1024xf32, #tpu.memory_space<hbm>> -> memref<8x1024xf32, #tpu.memory_space<hbm>>
      tpu.wait_dma2 semaphore(%run_scoped3A : memref<!tpu.dma_semaphore, #tpu.memory_space<semaphore_mem>>) src(%arg6 : memref<8x1024xf32, #tpu.memory_space<vmem>>) dst(%dma_wait3A_24 : memref<8x1024xf32, #tpu.memory_space<hbm>>)
      tpu.yield
    }) : () -> ()
    return
  }
}

module attributes {stable_mosaic.version = 14 : i64} {
  func.func @_expert_body(%arg0: i32, %arg1: memref<1x64xi32, #tpu.memory_space<smem>>, %arg2: memref<1x64xi32, #tpu.memory_space<smem>>, %arg3: memref<256x1024xf32, #tpu.memory_space<vmem>>, %arg4: memref<768x256xf32, #tpu.memory_space<vmem>>, %arg5: memref<1x512x1024xf32, #tpu.memory_space<vmem>>, %arg6: memref<1x512x1024xf32, #tpu.memory_space<vmem>>, %arg7: memref<1x1024x512xf32, #tpu.memory_space<vmem>>, %arg8: memref<768x1xf32, #tpu.memory_space<vmem>>, %arg9: memref<768x1024xf32, #tpu.memory_space<vmem>>) attributes {dimension_semantics = [#tpu.dimension_semantics<arbitrary>], iteration_bounds = array<i64: 64>, scalar_prefetch = 0 : i64, scratch_operands = 0 : i64, tpu.core_type = #tpu.core_type<tc>, window_params = [{transform_indices = @transform_0, window_bounds = array<i64: 1, 64>}, {transform_indices = @transform_1, window_bounds = array<i64: 1, 64>}, {pipeline_mode = #tpu.pipeline_mode<synchronous>, transform_indices = @transform_2, window_bounds = array<i64: 256, 1024>}, {pipeline_mode = #tpu.pipeline_mode<synchronous>, transform_indices = @transform_3, window_bounds = array<i64: 768, 256>}, {transform_indices = @transform_4, window_bounds = array<i64: 1, 512, 1024>}, {transform_indices = @transform_5, window_bounds = array<i64: 1, 512, 1024>}, {transform_indices = @transform_6, window_bounds = array<i64: 1, 1024, 512>}, {pipeline_mode = #tpu.pipeline_mode<synchronous>, transform_indices = @transform_7, window_bounds = array<i64: 768, 1>}, {pipeline_mode = #tpu.pipeline_mode<synchronous>, transform_indices = @transform_8, window_bounds = array<i64: 768, 1024>}]} {
    %get3A = arith.constant 0 : index
    %get3A_0 = arith.index_cast %arg0 : i32 to index
    %get3A_1 = memref.load %arg1[%get3A, %get3A_0] : memref<1x64xi32, #tpu.memory_space<smem>>
    %get3A_2 = arith.constant 0 : index
    %get3A_3 = arith.index_cast %arg0 : i32 to index
    %get3A_4 = memref.load %arg2[%get3A_2, %get3A_3] : memref<1x64xi32, #tpu.memory_space<smem>>
    %get3A_5 = arith.constant 0 : index
    %get3A_6 = arith.constant 0 : index
    %get3A_7 = arith.constant 0 : index
    %get3A_8 = vector.load %arg5[%get3A_5, %get3A_6, %get3A_7] : memref<1x512x1024xf32, #tpu.memory_space<vmem>>, vector<1x512x1024xf32>
    %get3A_9 = vector.shape_cast %get3A_8 : vector<1x512x1024xf32> to vector<512x1024xf32>
    %get3A_10 = arith.constant 0 : index
    %get3A_11 = arith.constant 0 : index
    %get3A_12 = arith.constant 0 : index
    %get3A_13 = vector.load %arg6[%get3A_10, %get3A_11, %get3A_12] : memref<1x512x1024xf32, #tpu.memory_space<vmem>>, vector<1x512x1024xf32>
    %get3A_14 = vector.shape_cast %get3A_13 : vector<1x512x1024xf32> to vector<512x1024xf32>
    %get3A_15 = arith.constant 0 : index
    %get3A_16 = arith.constant 0 : index
    %get3A_17 = arith.constant 0 : index
    %get3A_18 = vector.load %arg7[%get3A_15, %get3A_16, %get3A_17] : memref<1x1024x512xf32, #tpu.memory_space<vmem>>, vector<1x1024x512xf32>
    %get3A_19 = vector.shape_cast %get3A_18 : vector<1x1024x512xf32> to vector<1024x512xf32>
    %while3A = arith.constant 0 : i32
    %while3A_20 = arith.constant 0 : i32
    %while3A_21 = arith.subi %get3A_4, %while3A_20 : i32
    %while3A_22 = arith.addi %while3A_20, %while3A_21 : i32
    %while3A_23 = arith.constant 1 : i32
    %while3A_24 = arith.divsi %while3A_21, %while3A_23 : i32
    %while3A_25 = arith.muli %while3A_24, %while3A_23 : i32
    %while3A_26 = arith.addi %while3A_20, %while3A_25 : i32
    %while3A_27 = arith.constant 1 : i32
    scf.for %while3A_29 = %while3A_20 to %while3A_26 step %while3A_27  : i32 {
      %mul3A = arith.constant 8 : i32
      %mul3A_30 = arith.muli %while3A_29, %mul3A : i32
      %add3A = arith.addi %get3A_1, %mul3A_30 : i32
      %multiple_of3A = tpu.assume_multiple %add3A, 8 : i32
      %get3A_31 = arith.index_cast %multiple_of3A : i32 to index
      %get3A_32 = arith.constant 0 : index
      %get3A_33 = vector.load %arg4[%get3A_31, %get3A_32] : memref<768x256xf32, #tpu.memory_space<vmem>>, vector<8x256xf32>
      %get3A_34 = arith.constant 0 : index
      %get3A_35 = arith.constant 0 : index
      %get3A_36 = vector.load %arg3[%get3A_34, %get3A_35] : memref<256x1024xf32, #tpu.memory_space<vmem>>, vector<256x1024xf32>
      %dot_general3A = arith.constant dense<0.000000e+00> : vector<8x1024xf32>
      %dot_general3A_37 = tpu.matmul %get3A_33, %get3A_36, %dot_general3A {dimension_numbers = #tpu.dot_dimension_numbers<[1], [0], [0], [1], [0, 0, 1, 1], [], []>, precision = #tpu.contract_precision<fp32>, transpose_lhs_hint = false} : vector<8x256xf32>, vector<256x1024xf32>, vector<8x1024xf32> -> vector<8x1024xf32>
      %dot_general3A_38 = arith.constant dense<0.000000e+00> : vector<8x512xf32>
      %dot_general3A_39 = tpu.matmul %dot_general3A_37, %get3A_9, %dot_general3A_38 {dimension_numbers = #tpu.dot_dimension_numbers<[1], [1], [0], [0], [0, 0, 1, 0], [], []>, transpose_lhs_hint = false} : vector<8x1024xf32>, vector<512x1024xf32>, vector<8x512xf32> -> vector<8x512xf32>
      %dot_general3A_40 = arith.constant dense<0.000000e+00> : vector<8x512xf32>
      %dot_general3A_41 = tpu.matmul %dot_general3A_37, %get3A_14, %dot_general3A_40 {dimension_numbers = #tpu.dot_dimension_numbers<[1], [1], [0], [0], [0, 0, 1, 0], [], []>, transpose_lhs_hint = false} : vector<8x1024xf32>, vector<512x1024xf32>, vector<8x512xf32> -> vector<8x512xf32>
      %neg3A = arith.constant 0.000000e+00 : f32
      %neg3A_42 = vector.broadcast %neg3A : f32 to vector<8x512xf32>
      %neg3A_43 = arith.subf %neg3A_42, %dot_general3A_39 : vector<8x512xf32>
      %exp3A = math.exp %neg3A_43 : vector<8x512xf32>
      %add3A_44 = arith.constant 1.000000e+00 : f32
      %add3A_45 = vector.broadcast %add3A_44 : f32 to vector<8x512xf32>
      %add3A_46 = arith.addf %add3A_45, %exp3A : vector<8x512xf32>
      %div3A = arith.divf %dot_general3A_39, %add3A_46 : vector<8x512xf32>
      %mul3A_47 = arith.mulf %div3A, %dot_general3A_41 : vector<8x512xf32>
      %dot_general3A_48 = arith.constant dense<0.000000e+00> : vector<8x1024xf32>
      %dot_general3A_49 = tpu.matmul %mul3A_47, %get3A_19, %dot_general3A_48 {dimension_numbers = #tpu.dot_dimension_numbers<[1], [1], [0], [0], [0, 0, 1, 0], [], []>, transpose_lhs_hint = false} : vector<8x512xf32>, vector<1024x512xf32>, vector<8x1024xf32> -> vector<8x1024xf32>
      %get3A_50 = arith.index_cast %multiple_of3A : i32 to index
      %get3A_51 = arith.constant 0 : index
      %get3A_52 = vector.load %arg8[%get3A_50, %get3A_51] : memref<768x1xf32, #tpu.memory_space<vmem>>, vector<8x1xf32>
      %mul3A_53 = vector.broadcast %get3A_52 : vector<8x1xf32> to vector<8x1024xf32>
      %mul3A_54 = arith.mulf %dot_general3A_49, %mul3A_53 : vector<8x1024xf32>
      %swap3A = arith.index_cast %multiple_of3A : i32 to index
      %swap3A_55 = arith.constant 0 : index
      %swap3A_56 = vector.load %arg9[%swap3A, %swap3A_55] : memref<768x1024xf32, #tpu.memory_space<vmem>>, vector<8x1024xf32>
      tpu.vector_store %arg9[%swap3A, %swap3A_55], %mul3A_54 {strides = array<i32>} : memref<768x1024xf32, #tpu.memory_space<vmem>>, vector<8x1024xf32>,
    }
    %while3A_28 = arith.constant 1 : i32
    scf.for %while3A_29 = %while3A_26 to %while3A_22 step %while3A_28  : i32 {
      %mul3A = arith.constant 8 : i32
      %mul3A_30 = arith.muli %while3A_29, %mul3A : i32
      %add3A = arith.addi %get3A_1, %mul3A_30 : i32
      %multiple_of3A = tpu.assume_multiple %add3A, 8 : i32
      %get3A_31 = arith.index_cast %multiple_of3A : i32 to index
      %get3A_32 = arith.constant 0 : index
      %get3A_33 = vector.load %arg4[%get3A_31, %get3A_32] : memref<768x256xf32, #tpu.memory_space<vmem>>, vector<8x256xf32>
      %get3A_34 = arith.constant 0 : index
      %get3A_35 = arith.constant 0 : index
      %get3A_36 = vector.load %arg3[%get3A_34, %get3A_35] : memref<256x1024xf32, #tpu.memory_space<vmem>>, vector<256x1024xf32>
      %dot_general3A = arith.constant dense<0.000000e+00> : vector<8x1024xf32>
      %dot_general3A_37 = tpu.matmul %get3A_33, %get3A_36, %dot_general3A {dimension_numbers = #tpu.dot_dimension_numbers<[1], [0], [0], [1], [0, 0, 1, 1], [], []>, precision = #tpu.contract_precision<fp32>, transpose_lhs_hint = false} : vector<8x256xf32>, vector<256x1024xf32>, vector<8x1024xf32> -> vector<8x1024xf32>
      %dot_general3A_38 = arith.constant dense<0.000000e+00> : vector<8x512xf32>
      %dot_general3A_39 = tpu.matmul %dot_general3A_37, %get3A_9, %dot_general3A_38 {dimension_numbers = #tpu.dot_dimension_numbers<[1], [1], [0], [0], [0, 0, 1, 0], [], []>, transpose_lhs_hint = false} : vector<8x1024xf32>, vector<512x1024xf32>, vector<8x512xf32> -> vector<8x512xf32>
      %dot_general3A_40 = arith.constant dense<0.000000e+00> : vector<8x512xf32>
      %dot_general3A_41 = tpu.matmul %dot_general3A_37, %get3A_14, %dot_general3A_40 {dimension_numbers = #tpu.dot_dimension_numbers<[1], [1], [0], [0], [0, 0, 1, 0], [], []>, transpose_lhs_hint = false} : vector<8x1024xf32>, vector<512x1024xf32>, vector<8x512xf32> -> vector<8x512xf32>
      %neg3A = arith.constant 0.000000e+00 : f32
      %neg3A_42 = vector.broadcast %neg3A : f32 to vector<8x512xf32>
      %neg3A_43 = arith.subf %neg3A_42, %dot_general3A_39 : vector<8x512xf32>
      %exp3A = math.exp %neg3A_43 : vector<8x512xf32>
      %add3A_44 = arith.constant 1.000000e+00 : f32
      %add3A_45 = vector.broadcast %add3A_44 : f32 to vector<8x512xf32>
      %add3A_46 = arith.addf %add3A_45, %exp3A : vector<8x512xf32>
      %div3A = arith.divf %dot_general3A_39, %add3A_46 : vector<8x512xf32>
      %mul3A_47 = arith.mulf %div3A, %dot_general3A_41 : vector<8x512xf32>
      %dot_general3A_48 = arith.constant dense<0.000000e+00> : vector<8x1024xf32>
      %dot_general3A_49 = tpu.matmul %mul3A_47, %get3A_19, %dot_general3A_48 {dimension_numbers = #tpu.dot_dimension_numbers<[1], [1], [0], [0], [0, 0, 1, 0], [], []>, transpose_lhs_hint = false} : vector<8x512xf32>, vector<1024x512xf32>, vector<8x1024xf32> -> vector<8x1024xf32>
      %get3A_50 = arith.index_cast %multiple_of3A : i32 to index
      %get3A_51 = arith.constant 0 : index
      %get3A_52 = vector.load %arg8[%get3A_50, %get3A_51] : memref<768x1xf32, #tpu.memory_space<vmem>>, vector<8x1xf32>
      %mul3A_53 = vector.broadcast %get3A_52 : vector<8x1xf32> to vector<8x1024xf32>
      %mul3A_54 = arith.mulf %dot_general3A_49, %mul3A_53 : vector<8x1024xf32>
      %swap3A = arith.index_cast %multiple_of3A : i32 to index
      %swap3A_55 = arith.constant 0 : index
      %swap3A_56 = vector.load %arg9[%swap3A, %swap3A_55] : memref<768x1024xf32, #tpu.memory_space<vmem>>, vector<8x1024xf32>
      tpu.vector_store %arg9[%swap3A, %swap3A_55], %mul3A_54 {strides = array<i32>} : memref<768x1024xf32, #tpu.memory_space<vmem>>, vector<8x1024xf32>,
    }
    return
  }
  func.func @transform_0(%arg0: i32) -> (i32, i32) {
    %c0_i32 = arith.constant 0 : i32
    %c0_i32_0 = arith.constant 0 : i32
    %c0_i32_1 = arith.constant 0 : i32
    return %c0_i32, %c0_i32_0 : i32, i32
  }
  func.func @transform_1(%arg0: i32) -> (i32, i32) {
    %c0_i32 = arith.constant 0 : i32
    %c0_i32_0 = arith.constant 0 : i32
    %c0_i32_1 = arith.constant 0 : i32
    return %c0_i32, %c0_i32_0 : i32, i32
  }
  func.func @transform_2(%arg0: i32) -> (i32, i32) {
    %c0_i32 = arith.constant 0 : i32
    %c0_i32_0 = arith.constant 0 : i32
    %c0_i32_1 = arith.constant 0 : i32
    return %c0_i32, %c0_i32_0 : i32, i32
  }
  func.func @transform_3(%arg0: i32) -> (i32, i32) {
    %c0_i32 = arith.constant 0 : i32
    %c0_i32_0 = arith.constant 0 : i32
    %c0_i32_1 = arith.constant 0 : i32
    return %c0_i32, %c0_i32_0 : i32, i32
  }
  func.func @transform_4(%arg0: i32) -> (i32, i32, i32) {
    %c0_i32 = arith.constant 0 : i32
    %c0_i32_0 = arith.constant 0 : i32
    %c0_i32_1 = arith.constant 0 : i32
    return %arg0, %c0_i32, %c0_i32_0 : i32, i32, i32
  }
  func.func @transform_5(%arg0: i32) -> (i32, i32, i32) {
    %c0_i32 = arith.constant 0 : i32
    %c0_i32_0 = arith.constant 0 : i32
    %c0_i32_1 = arith.constant 0 : i32
    return %arg0, %c0_i32, %c0_i32_0 : i32, i32, i32
  }
  func.func @transform_6(%arg0: i32) -> (i32, i32, i32) {
    %c0_i32 = arith.constant 0 : i32
    %c0_i32_0 = arith.constant 0 : i32
    %c0_i32_1 = arith.constant 0 : i32
    return %arg0, %c0_i32, %c0_i32_0 : i32, i32, i32
  }
  func.func @transform_7(%arg0: i32) -> (i32, i32) {
    %c0_i32 = arith.constant 0 : i32
    %c0_i32_0 = arith.constant 0 : i32
    %c0_i32_1 = arith.constant 0 : i32
    return %c0_i32, %c0_i32_0 : i32, i32
  }
  func.func @transform_8(%arg0: i32) -> (i32, i32) {
    %c0_i32 = arith.constant 0 : i32
    %c0_i32_0 = arith.constant 0 : i32
    %c0_i32_1 = arith.constant 0 : i32
    return %c0_i32, %c0_i32_0 : i32, i32
  }
}

module attributes {stable_mosaic.version = 14 : i64} {
  func.func @_router_body(%arg0: memref<256x1024xf32, #tpu.memory_space<vmem>>, %arg1: memref<256x1024xf32, #tpu.memory_space<vmem>>, %arg2: memref<1x256xf32, #tpu.memory_space<vmem>>, %arg3: memref<8x256xf32, #tpu.memory_space<vmem>>, %arg4: memref<1x8xf32, #tpu.memory_space<vmem>>, %arg5: memref<64x1024xf32, #tpu.memory_space<vmem>>, %arg6: memref<8x64xf32, #tpu.memory_space<vmem>>, %arg7: memref<1x1xf32, #tpu.memory_space<smem>>, %arg8: memref<256x8xf32, #tpu.memory_space<vmem>>, %arg9: memref<1x256xi32, #tpu.memory_space<vmem>>, %arg10: memref<768x256xf32, #tpu.memory_space<vmem>>, %arg11: memref<1x64xi32, #tpu.memory_space<vmem>>, %arg12: memref<1x64xi32, #tpu.memory_space<vmem>>, %arg13: memref<768x1xf32, #tpu.memory_space<vmem>>) attributes {dimension_semantics = [], scalar_prefetch = 0 : i64, scratch_operands = 0 : i64, tpu.core_type = #tpu.core_type<tc>} {
    %get3A = arith.constant 0 : index
    %get3A_0 = arith.constant 0 : index
    %get3A_1 = vector.load %arg0[%get3A, %get3A_0] : memref<256x1024xf32, #tpu.memory_space<vmem>>, vector<256x1024xf32>
    %get3A_2 = arith.constant 0 : index
    %get3A_3 = arith.constant 0 : index
    %get3A_4 = vector.load %arg1[%get3A_2, %get3A_3] : memref<256x1024xf32, #tpu.memory_space<vmem>>, vector<256x1024xf32>
    %dot_general3A = arith.constant dense<0.000000e+00> : vector<256x256xf32>
    %dot_general3A_5 = tpu.matmul %get3A_1, %get3A_4, %dot_general3A {dimension_numbers = #tpu.dot_dimension_numbers<[1], [1], [0], [0], [0, 0, 1, 0], [], []>, transpose_lhs_hint = false} : vector<256x1024xf32>, vector<256x1024xf32>, vector<256x256xf32> -> vector<256x256xf32>
    %get3A_6 = arith.constant 0 : index
    %get3A_7 = arith.constant 0 : index
    %get3A_8 = vector.load %arg2[%get3A_6, %get3A_7] : memref<1x256xf32, #tpu.memory_space<vmem>>, vector<1x256xf32>
    %add3A = vector.broadcast %get3A_8 : vector<1x256xf32> to vector<256x256xf32>
    %add3A_9 = arith.addf %dot_general3A_5, %add3A : vector<256x256xf32>
    %neg3A = arith.constant 0.000000e+00 : f32
    %neg3A_10 = vector.broadcast %neg3A : f32 to vector<256x256xf32>
    %neg3A_11 = arith.subf %neg3A_10, %add3A_9 : vector<256x256xf32>
    %exp3A = math.exp %neg3A_11 : vector<256x256xf32>
    %add3A_12 = arith.constant 1.000000e+00 : f32
    %add3A_13 = vector.broadcast %add3A_12 : f32 to vector<256x256xf32>
    %add3A_14 = arith.addf %add3A_13, %exp3A : vector<256x256xf32>
    %div3A = arith.divf %add3A_9, %add3A_14 : vector<256x256xf32>
    %get3A_15 = arith.constant 0 : index
    %get3A_16 = arith.constant 0 : index
    %get3A_17 = vector.load %arg3[%get3A_15, %get3A_16] : memref<8x256xf32, #tpu.memory_space<vmem>>, vector<8x256xf32>
    %dot_general3A_18 = arith.constant dense<0.000000e+00> : vector<256x8xf32>
    %dot_general3A_19 = tpu.matmul %div3A, %get3A_17, %dot_general3A_18 {dimension_numbers = #tpu.dot_dimension_numbers<[1], [1], [0], [0], [0, 0, 1, 0], [], []>, transpose_lhs_hint = false} : vector<256x256xf32>, vector<8x256xf32>, vector<256x8xf32> -> vector<256x8xf32>
    %get3A_20 = arith.constant 0 : index
    %get3A_21 = arith.constant 0 : index
    %get3A_22 = vector.load %arg4[%get3A_20, %get3A_21] : memref<1x8xf32, #tpu.memory_space<vmem>>, vector<1x8xf32>
    %add3A_23 = vector.broadcast %get3A_22 : vector<1x8xf32> to vector<256x8xf32>
    %add3A_24 = arith.addf %dot_general3A_19, %add3A_23 : vector<256x8xf32>
    %get3A_25 = arith.constant 0 : index
    %get3A_26 = arith.constant 0 : index
    %get3A_27 = vector.load %arg8[%get3A_25, %get3A_26] : memref<256x8xf32, #tpu.memory_space<vmem>>, vector<256x8xf32>
    %add3A_28 = arith.addf %add3A_24, %get3A_27 : vector<256x8xf32>
    %reduce_max3A = arith.constant dense<0xFF800000> : vector<256xf32>
    %reduce_max3A_29 = vector.multi_reduction <maximumf>, %add3A_28, %reduce_max3A [1] : vector<256x8xf32> to vector<256xf32>
    %broadcast_in_dim3A = vector.shape_cast %reduce_max3A_29 : vector<256xf32> to vector<256x1xf32>
    %iota3A = tpu.iota {dimensions = array<i32: 1>} : vector<256x8xi32>
    %eq3A = vector.broadcast %broadcast_in_dim3A : vector<256x1xf32> to vector<256x8xf32>
    %eq3A_30 = arith.cmpf oeq, %add3A_28, %eq3A : vector<256x8xf32>
    %jit3A = arith.constant 8 : i32
    %broadcast_in_dim3A_31 = vector.broadcast %jit3A : i32 to vector<256x8xi32>
    %select_n3A = arith.select %eq3A_30, %iota3A, %broadcast_in_dim3A_31 : vector<256x8xi1>, vector<256x8xi32>
    %reduce_min3A = arith.constant dense<2147483647> : vector<256xi32>
    %reduce_min3A_32 = vector.multi_reduction <minsi>, %select_n3A, %reduce_min3A [1] : vector<256x8xi32> to vector<256xi32>
    %broadcast_in_dim3A_33 = vector.shape_cast %reduce_min3A_32 : vector<256xi32> to vector<256x1xi32>
    %eq3A_34 = vector.broadcast %broadcast_in_dim3A_33 : vector<256x1xi32> to vector<256x8xi32>
    %eq3A_35 = arith.cmpi eq, %iota3A, %eq3A_34 : vector<256x8xi32>
    %convert_element_type3A = arith.extui %eq3A_35 : vector<256x8xi1> to vector<256x8xi32>
    %convert_element_type3A_36 = arith.sitofp %convert_element_type3A : vector<256x8xi32> to vector<256x8xf32>
    %get3A_37 = arith.constant 0 : index
    %get3A_38 = arith.constant 0 : index
    %get3A_39 = vector.load %arg6[%get3A_37, %get3A_38] : memref<8x64xf32, #tpu.memory_space<vmem>>, vector<8x64xf32>
    %dot_general3A_40 = arith.constant dense<0.000000e+00> : vector<256x64xf32>
    %dot_general3A_41 = tpu.matmul %convert_element_type3A_36, %get3A_39, %dot_general3A_40 {dimension_numbers = #tpu.dot_dimension_numbers<[1], [0], [0], [1], [0, 0, 1, 1], [], []>, transpose_lhs_hint = false} : vector<256x8xf32>, vector<8x64xf32>, vector<256x64xf32> -> vector<256x64xf32>
    %get3A_42 = arith.constant 0 : index
    %get3A_43 = arith.constant 0 : index
    %get3A_44 = vector.load %arg5[%get3A_42, %get3A_43] : memref<64x1024xf32, #tpu.memory_space<vmem>>, vector<64x1024xf32>
    %dot_general3A_45 = arith.constant dense<0.000000e+00> : vector<256x64xf32>
    %dot_general3A_46 = tpu.matmul %get3A_1, %get3A_44, %dot_general3A_45 {dimension_numbers = #tpu.dot_dimension_numbers<[1], [1], [0], [0], [0, 0, 1, 0], [], []>, transpose_lhs_hint = false} : vector<256x1024xf32>, vector<64x1024xf32>, vector<256x64xf32> -> vector<256x64xf32>
    %get3A_47 = arith.constant 0 : index
    %get3A_48 = arith.constant 0 : index
    %get3A_49 = memref.load %arg7[%get3A_47, %get3A_48] : memref<1x1xf32, #tpu.memory_space<smem>>
    %mul3A = vector.broadcast %get3A_49 : f32 to vector<256x64xf32>
    %mul3A_50 = arith.mulf %mul3A, %dot_general3A_41 : vector<256x64xf32>
    %add3A_51 = arith.addf %dot_general3A_46, %mul3A_50 : vector<256x64xf32>
    %reduce_max3A_52 = arith.constant dense<0xFF800000> : vector<256xf32>
    %reduce_max3A_53 = vector.multi_reduction <maximumf>, %add3A_51, %reduce_max3A_52 [1] : vector<256x64xf32> to vector<256xf32>
    %broadcast_in_dim3A_54 = vector.shape_cast %reduce_max3A_53 : vector<256xf32> to vector<256x1xf32>
    %sub3A = vector.broadcast %broadcast_in_dim3A_54 : vector<256x1xf32> to vector<256x64xf32>
    %sub3A_55 = arith.subf %add3A_51, %sub3A : vector<256x64xf32>
    %exp3A_56 = math.exp %sub3A_55 : vector<256x64xf32>
    %reduce_sum3A = arith.constant dense<0.000000e+00> : vector<256xf32>
    %reduce_sum3A_57 = vector.multi_reduction <add>, %exp3A_56, %reduce_sum3A [1] : vector<256x64xf32> to vector<256xf32>
    %broadcast_in_dim3A_58 = vector.shape_cast %reduce_sum3A_57 : vector<256xf32> to vector<256x1xf32>
    %div3A_59 = vector.broadcast %broadcast_in_dim3A_58 : vector<256x1xf32> to vector<256x64xf32>
    %div3A_60 = arith.divf %exp3A_56, %div3A_59 : vector<256x64xf32>
    %reduce_max3A_61 = arith.constant dense<0xFF800000> : vector<256xf32>
    %reduce_max3A_62 = vector.multi_reduction <maximumf>, %div3A_60, %reduce_max3A_61 [1] : vector<256x64xf32> to vector<256xf32>
    %broadcast_in_dim3A_63 = vector.shape_cast %reduce_max3A_62 : vector<256xf32> to vector<256x1xf32>
    %iota3A_64 = tpu.iota {dimensions = array<i32: 1>} : vector<256x64xi32>
    %eq3A_65 = vector.broadcast %broadcast_in_dim3A_63 : vector<256x1xf32> to vector<256x64xf32>
    %eq3A_66 = arith.cmpf oeq, %div3A_60, %eq3A_65 : vector<256x64xf32>
    %jit3A_67 = arith.constant 64 : i32
    %broadcast_in_dim3A_68 = vector.broadcast %jit3A_67 : i32 to vector<256x64xi32>
    %select_n3A_69 = arith.select %eq3A_66, %iota3A_64, %broadcast_in_dim3A_68 : vector<256x64xi1>, vector<256x64xi32>
    %reduce_min3A_70 = arith.constant dense<2147483647> : vector<256xi32>
    %reduce_min3A_71 = vector.multi_reduction <minsi>, %select_n3A_69, %reduce_min3A_70 [1] : vector<256x64xi32> to vector<256xi32>
    %broadcast_in_dim3A_72 = vector.shape_cast %reduce_min3A_71 : vector<256xi32> to vector<256x1xi32>
    %eq3A_73 = vector.broadcast %broadcast_in_dim3A_72 : vector<256x1xi32> to vector<256x64xi32>
    %eq3A_74 = arith.cmpi eq, %iota3A_64, %eq3A_73 : vector<256x64xi32>
    %convert_element_type3A_75 = arith.extui %eq3A_74 : vector<256x64xi1> to vector<256x64xi32>
    %convert_element_type3A_76 = arith.sitofp %convert_element_type3A_75 : vector<256x64xi32> to vector<256x64xf32>
    %broadcast_in_dim3A_77 = arith.constant 1.000000e+00 : f32
    %broadcast_in_dim3A_78 = vector.broadcast %broadcast_in_dim3A_77 : f32 to vector<1x256xf32>
    %dot_general3A_79 = arith.constant dense<0.000000e+00> : vector<1x64xf32>
    %dot_general3A_80 = tpu.matmul %broadcast_in_dim3A_78, %convert_element_type3A_76, %dot_general3A_79 {dimension_numbers = #tpu.dot_dimension_numbers<[1], [0], [0], [1], [0, 0, 1, 1], [], []>, transpose_lhs_hint = false} : vector<1x256xf32>, vector<256x64xf32>, vector<1x64xf32> -> vector<1x64xf32>
    %add3A_81 = arith.constant 5.000000e-01 : f32
    %add3A_82 = vector.broadcast %add3A_81 : f32 to vector<1x64xf32>
    %add3A_83 = arith.addf %dot_general3A_80, %add3A_82 : vector<1x64xf32>
    %floor3A = math.floor %add3A_83 : vector<1x64xf32>
    %add3A_84 = arith.constant 7.000000e+00 : f32
    %add3A_85 = vector.broadcast %add3A_84 : f32 to vector<1x64xf32>
    %add3A_86 = arith.addf %floor3A, %add3A_85 : vector<1x64xf32>
    %mul3A_87 = arith.constant 1.250000e-01 : f32
    %mul3A_88 = vector.broadcast %mul3A_87 : f32 to vector<1x64xf32>
    %mul3A_89 = arith.mulf %add3A_86, %mul3A_88 : vector<1x64xf32>
    %floor3A_90 = math.floor %mul3A_89 : vector<1x64xf32>
    %mul3A_91 = arith.constant 8.000000e+00 : f32
    %mul3A_92 = vector.broadcast %mul3A_91 : f32 to vector<1x64xf32>
    %mul3A_93 = arith.mulf %floor3A_90, %mul3A_92 : vector<1x64xf32>
    %iota3A_94 = tpu.iota {dimensions = array<i32: 0>} : vector<64x64xi32>
    %iota3A_95 = tpu.iota {dimensions = array<i32: 1>} : vector<64x64xi32>
    %lt3A = arith.cmpi slt, %iota3A_94, %iota3A_95 : vector<64x64xi32>
    %convert_element_type3A_96 = arith.extui %lt3A : vector<64x64xi1> to vector<64x64xi32>
    %convert_element_type3A_97 = arith.sitofp %convert_element_type3A_96 : vector<64x64xi32> to vector<64x64xf32>
    %dot_general3A_98 = arith.constant dense<0.000000e+00> : vector<1x64xf32>
    %dot_general3A_99 = tpu.matmul %mul3A_93, %convert_element_type3A_97, %dot_general3A_98 {dimension_numbers = #tpu.dot_dimension_numbers<[1], [0], [0], [1], [0, 0, 1, 1], [], []>, transpose_lhs_hint = false} : vector<1x64xf32>, vector<64x64xf32>, vector<1x64xf32> -> vector<1x64xf32>
    %add3A_100 = arith.constant 5.000000e-01 : f32
    %add3A_101 = vector.broadcast %add3A_100 : f32 to vector<1x64xf32>
    %add3A_102 = arith.addf %dot_general3A_99, %add3A_101 : vector<1x64xf32>
    %floor3A_103 = math.floor %add3A_102 : vector<1x64xf32>
    %dot_general3A_104 = arith.constant dense<0.000000e+00> : vector<256x256xf32>
    %dot_general3A_105 = tpu.matmul %convert_element_type3A_76, %convert_element_type3A_76, %dot_general3A_104 {dimension_numbers = #tpu.dot_dimension_numbers<[1], [1], [0], [0], [0, 0, 1, 0], [], []>, transpose_lhs_hint = false} : vector<256x64xf32>, vector<256x64xf32>, vector<256x256xf32> -> vector<256x256xf32>
    %iota3A_106 = tpu.iota {dimensions = array<i32: 0>} : vector<256x256xi32>
    %iota3A_107 = tpu.iota {dimensions = array<i32: 1>} : vector<256x256xi32>
    %lt3A_108 = arith.cmpi slt, %iota3A_106, %iota3A_107 : vector<256x256xi32>
    %convert_element_type3A_109 = arith.extui %lt3A_108 : vector<256x256xi1> to vector<256x256xi32>
    %convert_element_type3A_110 = arith.sitofp %convert_element_type3A_109 : vector<256x256xi32> to vector<256x256xf32>
    %mul3A_111 = arith.mulf %dot_general3A_105, %convert_element_type3A_110 : vector<256x256xf32>
    %dot_general3A_112 = arith.constant dense<0.000000e+00> : vector<1x256xf32>
    %dot_general3A_113 = tpu.matmul %broadcast_in_dim3A_78, %mul3A_111, %dot_general3A_112 {dimension_numbers = #tpu.dot_dimension_numbers<[1], [0], [0], [1], [0, 0, 1, 1], [], []>, transpose_lhs_hint = false} : vector<1x256xf32>, vector<256x256xf32>, vector<1x256xf32> -> vector<1x256xf32>
    %dot_general3A_114 = arith.constant dense<0.000000e+00> : vector<256x1xf32>
    %dot_general3A_115 = tpu.matmul %convert_element_type3A_76, %floor3A_103, %dot_general3A_114 {dimension_numbers = #tpu.dot_dimension_numbers<[1], [1], [0], [0], [0, 0, 1, 0], [], []>, transpose_lhs_hint = false} : vector<256x64xf32>, vector<1x64xf32>, vector<256x1xf32> -> vector<256x1xf32>
    %eq3A_116 = arith.cmpi eq, %iota3A_106, %iota3A_107 : vector<256x256xi32>
    %convert_element_type3A_117 = arith.extui %eq3A_116 : vector<256x256xi1> to vector<256x256xi32>
    %convert_element_type3A_118 = arith.sitofp %convert_element_type3A_117 : vector<256x256xi32> to vector<256x256xf32>
    %mul3A_119 = vector.broadcast %dot_general3A_115 : vector<256x1xf32> to vector<256x256xf32>
    %mul3A_120 = arith.mulf %convert_element_type3A_118, %mul3A_119 : vector<256x256xf32>
    %dot_general3A_121 = arith.constant dense<0.000000e+00> : vector<1x256xf32>
    %dot_general3A_122 = tpu.matmul %broadcast_in_dim3A_78, %mul3A_120, %dot_general3A_121 {dimension_numbers = #tpu.dot_dimension_numbers<[1], [0], [0], [1], [0, 0, 1, 1], [], []>, transpose_lhs_hint = false} : vector<1x256xf32>, vector<256x256xf32>, vector<1x256xf32> -> vector<1x256xf32>
    %add3A_123 = arith.addf %dot_general3A_122, %dot_general3A_113 : vector<1x256xf32>
    %add3A_124 = arith.constant 5.000000e-01 : f32
    %add3A_125 = vector.broadcast %add3A_124 : f32 to vector<1x256xf32>
    %add3A_126 = arith.addf %add3A_123, %add3A_125 : vector<1x256xf32>
    %floor3A_127 = math.floor %add3A_126 : vector<1x256xf32>
    %iota3A_128 = tpu.iota {dimensions = array<i32: 0>} : vector<768x256xi32>
    %convert_element_type3A_129 = arith.sitofp %iota3A_128 : vector<768x256xi32> to vector<768x256xf32>
    %eq3A_130 = vector.broadcast %floor3A_127 : vector<1x256xf32> to vector<768x256xf32>
    %eq3A_131 = arith.cmpf oeq, %convert_element_type3A_129, %eq3A_130 : vector<768x256xf32>
    %convert_element_type3A_132 = arith.extui %eq3A_131 : vector<768x256xi1> to vector<768x256xi32>
    %convert_element_type3A_133 = arith.sitofp %convert_element_type3A_132 : vector<768x256xi32> to vector<768x256xf32>
    %dot_general3A_134 = arith.constant dense<0.000000e+00> : vector<768x1xf32>
    %dot_general3A_135 = tpu.matmul %convert_element_type3A_133, %broadcast_in_dim3A_63, %dot_general3A_134 {dimension_numbers = #tpu.dot_dimension_numbers<[1], [0], [0], [1], [0, 0, 1, 1], [], []>, precision = #tpu.contract_precision<fp32>, transpose_lhs_hint = false} : vector<768x256xf32>, vector<256x1xf32>, vector<768x1xf32> -> vector<768x1xf32>
    %convert_element_type3A_136 = arith.fptosi %floor3A_127 : vector<1x256xf32> to vector<1x256xi32>
    %swap3A = arith.constant 0 : index
    %swap3A_137 = arith.constant 0 : index
    %swap3A_138 = vector.load %arg9[%swap3A, %swap3A_137] : memref<1x256xi32, #tpu.memory_space<vmem>>, vector<1x256xi32>
    tpu.vector_store %arg9[%swap3A, %swap3A_137], %convert_element_type3A_136 {strides = array<i32>} : memref<1x256xi32, #tpu.memory_space<vmem>>, vector<1x256xi32>,
    %swap3A_139 = arith.constant 0 : index
    %swap3A_140 = arith.constant 0 : index
    %swap3A_141 = vector.load %arg10[%swap3A_139, %swap3A_140] : memref<768x256xf32, #tpu.memory_space<vmem>>, vector<768x256xf32>
    tpu.vector_store %arg10[%swap3A_139, %swap3A_140], %convert_element_type3A_133 {strides = array<i32>} : memref<768x256xf32, #tpu.memory_space<vmem>>, vector<768x256xf32>,
    %convert_element_type3A_142 = arith.fptosi %floor3A_103 : vector<1x64xf32> to vector<1x64xi32>
    %swap3A_143 = arith.constant 0 : index
    %swap3A_144 = arith.constant 0 : index
    %swap3A_145 = vector.load %arg11[%swap3A_143, %swap3A_144] : memref<1x64xi32, #tpu.memory_space<vmem>>, vector<1x64xi32>
    tpu.vector_store %arg11[%swap3A_143, %swap3A_144], %convert_element_type3A_142 {strides = array<i32>} : memref<1x64xi32, #tpu.memory_space<vmem>>, vector<1x64xi32>,
    %convert_element_type3A_146 = arith.fptosi %floor3A_90 : vector<1x64xf32> to vector<1x64xi32>
    %swap3A_147 = arith.constant 0 : index
    %swap3A_148 = arith.constant 0 : index
    %swap3A_149 = vector.load %arg12[%swap3A_147, %swap3A_148] : memref<1x64xi32, #tpu.memory_space<vmem>>, vector<1x64xi32>
    tpu.vector_store %arg12[%swap3A_147, %swap3A_148], %convert_element_type3A_146 {strides = array<i32>} : memref<1x64xi32, #tpu.memory_space<vmem>>, vector<1x64xi32>,
    %swap3A_150 = arith.constant 0 : index
    %swap3A_151 = arith.constant 0 : index
    %swap3A_152 = vector.load %arg13[%swap3A_150, %swap3A_151] : memref<768x1xf32, #tpu.memory_space<vmem>>, vector<768x1xf32>
    tpu.vector_store %arg13[%swap3A_150, %swap3A_151], %dot_general3A_135 {strides = array<i32>} : memref<768x1xf32, #tpu.memory_space<vmem>>, vector<768x1xf32>,
    return
  }
}

</mosaic_0001>

<sc_bundles>
// kernel: kernel.5.cloned.1.call-start
scs
__scs_entry_jumppad:
0x0: {  	(pc) =	sbr.rel $0x88, $3  }
0x1: {  	(tag) =	ssettag $0x0;
	lr =	simm.s32 $0x1  }
0x2: {  	[smem:$0x3F95] =	sst lr;
	_ =	strace $0xD0000000  }
0x3: {  	_ = 	snop  }
0x4: {  	_ = 	snop  }
0x5: {  	_ = 	snop  }
0x6: {  	_ = 	snop  }
0x7: {  	_ = 	snop  }
__scs_overlays_trampoline_lowered:
0x8: {  	[smem:$0x3FA4] =	sst s0  }
0x9: {  	[smem:$0x3FA5] =	sst s1  }
0xa: {  	[smem:$0x3FA6] =	sst s2  }
0xb: {  	[smem:$0x3FA7] =	sst s3  }
0xc: {  	[smem:$0x3FA8] =	sst s4  }
0xd: {  	[smem:$0x3FA9] =	sst s5  }
0xe: {  	[smem:$0x3FAA] =	sst s6  }
0xf: {  	[smem:$0x3FAB] =	sst s7  }
0x10: {  	[smem:$0x3FAC] =	sst s8  }
0x11: {  	[smem:$0x3FAD] =	sst s9;
	s0 =	simm.s32 @!p0 $0x0  }
0x12: {  	s1 =	sld [smem:$0x3F93];
	s0 =	simm.s32 @p0 $0x1  }
0x13: {  	[smem:$0x3FAE] =	sst s0;
	s0 =	simm.s32 @!p1 $0x0  }
0x14: {  	s2 =	sld [smem:$0x3F92];
	s0 =	simm.s32 @p1 $0x1  }
0x15: {  	[smem:$0x3FAF] =	sst s0;
	s0 =	simm.s32 @!p2 $0x0  }
0x16: {  	s3 =	sld [smem:$0x3FDB];
	s0 =	simm.s32 @p2 $0x1  }
0x17: {  	s4 =	simm.s32 $0x1BF5;
	[smem:$0x3FB1] =	sst s0  }
0x18: {  	s0 =	sld [smem:$0x3F94];
	_ =	swait.ge [sflag:s4], $0x0  }
0x19: {  	s7 =	sld [smem:$0x3F95]  }
0x1a: {  	s8 =	sadd.s32 $0xFFFFE003, lr  }
0x1b: {  	s9 =	sadd.s32 $0xFFFFFEF7, lr;
	s5 =	simm.s32 $0xFFFFFFFF;
	p2 =	slt.u32 s8, $0xFFFFF086  }
0x1c: {  	p1 =	slt.u32 s9, $0xF7A;
	s5 =	simm.s32 @!p2 $0x0  }
0x1d: {  	s5 =	simm.s32 @p1 $0x1;
	p0 =	seq.s32 s7, s2  }
0x1e: {  	s7 =	smul.u32 @!p0 $0xF7A, s2;
	p2 =	seq.s32 @!p0 s5, $0x0  }
0x1f: {  	s9 =	smul.u32 $0xF7A, s1;
	s8 =	simm.s32 @!p0 $0x1BF5;
	p2 =	por !p2, p0  }
0x20: {  	[sflag:s8] =	ssyncset.s32 @!p0 $0xFFFFF086;
	s6 =	sadd.s32 @!p0 s3, s7;
	s7 =	simm.s32 @!p0 $0x108  }
0x21: {  	s3 =	sadd.s32 s3, s9;
	s6 =	sadd.s32 @!p0 $0x88, s6;
	s7 =	simm.s32 @p2 $0x1082  }
0x22: {  	[simem:s7], [sflag:s8] =	dma.local @!p0 [hbm:s6], $0xF7A  }
0x23: {  	s9 =	sor.u32 $0xD0000000, s2;
	s6 =	simm.s32 $0x108;
	_ =	swait.ge @!p0 [sflag:s8], $0x0  }
0x24: {  	s3 =	sadd.s32 $0x88, s3;
	s6 =	simm.s32 @!p1 $0x1082;
	[sflag:s4] =	ssyncset.s32 $0xFFFFF086  }
0x25: {  	[simem:s6], [sflag:s4] =	dma.local [hbm:s3], $0xF7A  }
0x26: {  	[smem:$0x3F95] =	sst s1;
	(tag) =	ssettag s2;
	_ =	strace s9  }
0x27: {  	s1 =	sld [smem:$0x3FA5]  }
0x28: {  	s2 =	sld [smem:$0x3FA6]  }
0x29: {  	s4 =	sld [smem:$0x3FA8]  }
0x2a: {  	p0 =	seq.s32 s5, $0x0;
	s5 =	sld [smem:$0x3FA9]  }
0x2b: {  	s6 =	sld [smem:$0x3FAA]  }
0x2c: {  	s7 =	sld [smem:$0x3FAB]  }
0x2d: {  	s3 =	simm.s32 $0x108;
	s8 =	sld [smem:$0x3FAC]  }
0x2e: {  	s3 =	simm.s32 @!p0 $0x1082;
	s9 =	sld [smem:$0x3FAD]  }
0x2f: {  	lr =	sadd.s32 s0, s3;
	s0 =	sld [smem:$0x3FA4]  }
0x30: {  	s3 =	sld [smem:$0x3FA7]  }
0x31: {  	[smem:$0x3FB0] =	sst s10  }
0x32: {  	s10 =	sld [smem:$0x3FAE];
	_ =	sdelay $0x3  }
0x33: {  	p0 =	seq.s32 s10, $0x1;
	s10 =	sld [smem:$0x3FB0];
	_ =	sdelay $0x3  }
0x34: {  	[smem:$0x3FB0] =	sst s10  }
0x35: {  	s10 =	sld [smem:$0x3FAF];
	_ =	sdelay $0x3  }
0x36: {  	p1 =	seq.s32 s10, $0x1;
	s10 =	sld [smem:$0x3FB0];
	_ =	sdelay $0x3  }
0x37: {  	[smem:$0x3FB0] =	sst s10  }
0x38: {  	s10 =	sld [smem:$0x3FB1]  }
0x39: {  	_ = 	snop;
	(pc) =	sbr.ind lr, $3  }
0x3a: {  	_ = 	snop  }
0x3b: {  	_ = 	snop  }
0x3c: {  	p2 =	seq.s32 s10, $0x1;
	s10 =	sld [smem:$0x3FB0]  }
0x3d: {  	_ =	shalt  }
0x3e: {  	_ =	shalt  }
0x3f: {  	_ =	shalt  }
0x40: {  	_ =	shalt  }
0x41: {  	_ =	shalt  }
0x42: {  	_ =	shalt  }
0x43: {  	_ =	shalt  }
0x44: {  	_ =	shalt  }
0x45: {  	_ =	shalt  }
0x46: {  	_ =	shalt  }
0x47: {  	_ =	shalt  }
0x48: {  	_ =	shalt  }
0x49: {  	_ =	shalt  }
0x4a: {  	_ =	shalt  }
0x4b: {  	_ =	shalt  }
0x4c: {  	_ =	shalt  }
0x4d: {  	_ =	shalt  }
0x4e: {  	_ =	shalt  }
0x4f: {  	_ =	shalt  }
0x50: {  	_ =	shalt  }
0x51: {  	_ =	shalt  }
0x52: {  	_ =	shalt  }
0x53: {  	_ =	shalt  }
0x54: {  	_ =	shalt  }
0x55: {  	_ =	shalt  }
0x56: {  	_ =	shalt  }
0x57: {  	_ =	shalt  }
0x58: {  	_ =	shalt  }
0x59: {  	_ =	shalt  }
0x5a: {  	_ =	shalt  }
0x5b: {  	_ =	shalt  }
0x5c: {  	_ =	shalt  }
0x5d: {  	_ =	shalt  }
0x5e: {  	_ =	shalt  }
0x5f: {  	_ =	shalt  }
0x60: {  	_ =	shalt  }
0x61: {  	_ =	shalt  }
0x62: {  	_ =	shalt  }
0x63: {  	_ =	shalt  }
0x64: {  	_ =	shalt  }
0x65: {  	_ =	shalt  }
0x66: {  	_ =	shalt  }
0x67: {  	_ =	shalt  }
0x68: {  	_ =	shalt  }
0x69: {  	_ =	shalt  }
0x6a: {  	_ =	shalt  }
0x6b: {  	_ =	shalt  }
0x6c: {  	_ =	shalt  }
0x6d: {  	_ =	shalt  }
0x6e: {  	_ =	shalt  }
0x6f: {  	_ =	shalt  }
0x70: {  	_ =	shalt  }
0x71: {  	_ =	shalt  }
0x72: {  	_ =	shalt  }
0x73: {  	_ =	shalt  }
0x74: {  	_ =	shalt  }
0x75: {  	_ =	shalt  }
0x76: {  	_ =	shalt  }
0x77: {  	_ =	shalt  }
0x78: {  	_ =	shalt  }
0x79: {  	_ =	shalt  }
0x7a: {  	_ =	shalt  }
0x7b: {  	_ =	shalt  }
0x7c: {  	_ =	shalt  }
0x7d: {  	_ =	shalt  }
0x7e: {  	_ =	shalt  }
0x7f: {  	_ =	shalt  }
0x80: {  	_ =	shalt  }
0x81: {  	_ =	shalt  }
0x82: {  	_ =	shalt  }
0x83: {  	_ =	shalt  }
0x84: {  	_ =	shalt  }
0x85: {  	_ =	shalt  }
0x86: {  	_ =	shalt  }
0x87: {  	_ =	shalt  }
.Lfunc_end0:
.L_simem_size_0:
called_computation_lowered:
.L_overlay_start_0:
0x88: {  	s2 =	sld [smem:$0x3FD9]  }
0x89: {  	s3 =	sld [smem:$0x3FFE];
	_ =	sdelay $0x1  }
0x8a: {  	s1 =	srdreg.scid  }
0x8b: {  	s0 =	sand.u32 $0x1, s1  }
0x8c: {  	s17 =	sshll.u32 s0, $0xA;
	s2 =	sadd.s32 s3, s2  }
0x8d: {  	s2 =	sadd.s32 s2, s17  }
0x8e: {  	[smem:$0x3FBC] =	sst s2  }
0x8f: {  	_ = 	snop  }
0x90: {  	s2 =	sld [smem:$0x3FD0];
	(tm) =	ssettm $0x1  }
0x91: {  	s18 =	sld [smem:$0x3FFB];
	_ =	sdelay $0x3  }
0x92: {  	_ =	strace s18  }
0x93: {  	s3 =	sld [smem:$0x3FFC];
	_ =	sdelay $0x3  }
0x94: {  	_ =	strace s3  }
0x95: {  	s3 =	sld [smem:$0x3FFD];
	_ =	sdelay $0x3  }
0x96: {  	_ =	strace s3  }
0x97: {  	_ =	strace $0x8FFFFFFF  }
0x98: {  	s19 =	sld [smem:$0x3FDB];
	_ =	sdelay $0x1  }
0x99: {  	s4 =	simm.s32 $_scs_section_size  }
0x9a: {  	s5 =	simm.s32 $_size__tile_overlayer_lowered;
	s6 =	simm.s32 $_tile_overlayer_lowered  }
0x9b: {  	s22 =	simm.s32 $0x1BFF;
	s21 =	sshll.u32 s6, $0x1;
	s3 =	sadd.s32 s4, s19  }
0x9c: {  	s7 =	simm.s32 $0x0;
	s20 =	sshll.u32 s5, $0x1;
	s5 =	sadd.s32 s21, s3  }
0x9d: {  	[timem:s7], [sflag:s22] =	dma.local [hbm:s5], s20  }
0x9e: {  	_ =	swait.ge [sflag:s22], s20  }
0x9f: {  	s4 =	ssub.s32 $0x0, s20;
	[sflag:s22] =	ssyncset.done $0x0  }
0xa0: {  	[sflag:s22] =	ssyncadd.s32 s4;
	_ =	sdelay $0x1  }
0xa1: {  	s23 =	simm.s32 $0x1B8B  }
0xa2: {  	_ =	swait.ge [sflag:s23], $0x1  }
0xa3: {  	[sflag:s23] =	ssyncset.done $0x0  }
0xa4: {  	s25 =	simm.s32 $0x1B8E;
	s24 =	sld [smem:$0x3FFE];
	[sflag:s23] =	ssyncadd.s32 $0xFFFFFFFF  }
0xa5: {  	s26 =	simm.s32 $execute0_lowered;
	[smem:$0x3FD2] =	sst s25  }
0xa6: {  	s5 =	sshll.u32 s26, $0x1;
	_ =	strace $0x80000046;
	[dreg:$0x1] =	wrdreg $0xFFFFFFFF  }
0xa7: {  	s28 =	simm.s32 $_size_execute0_lowered;
	s3 =	sadd.s32 s3, s5;
	[dreg:$0x0] =	wrdreg $0x0  }
0xa8: {  	s5 =	sshll.u32 s28, $0x1;
	[dreg:$0x2] =	wrdreg s3  }
0xa9: {  	[dreg:$0x3] =	wrdreg s5  }
0xaa: {  	[dreg:$0x4] =	wrdreg $0xC0  }
0xab: {  	_ =	task [dreg:s7], $0x5FFFF  }
0xac: {  	[dreg:$0x1] =	wrdreg $0xFFFFFFFF  }
0xad: {  	[dreg:$0x0] =	wrdreg $0x60  }
0xae: {  	[dreg:$0x2] =	wrdreg s24  }
0xaf: {  	[dreg:$0x3] =	wrdreg s2  }
0xb0: {  	[dreg:$0x4] =	wrdreg $0x9  }
0xb1: {  	_ =	task.clear_ibuf [dreg:s7], $0x5FFFF;
	_ =	strace $0x90000046  }
0xb2: {  	s29 =	simm.s32 $0x9;
	_ =	strace $0x80000048  }
0xb3: {  	_ =	swait.ge [sflag:s29], $0x1  }
0xb4: {  	[sflag:s29] =	ssyncadd.s32 $0xFFFFFFFF  }
0xb5: {  	_ =	strace $0x90000048  }
0xb6: {  	_ =	sfence  }
0xb7: {  	s30 =	sld [smem:$0x0];
	_ =	sdelay $0x2  }
0xb8: {  	s31 =	sshll.u32 s1, $0xD;
	s1 =	sshrl.u32 s1, $0x2  }
0xb9: {  	s3 =	sand.u32 $0x4000, s31;
	s1 =	sadd.s32 s1, s30  }
0xba: {  	s0 =	sor.u32 s3, s0;
	s1 =	sshll.u32 s1, $0x11  }
0xbb: {  	s0 =	sor.u32 s1, s0  }
0xbc: {  	s0 =	sadd.s32 $0x8F2B, s0  }
0xbd: {  	[sflag:s0] =	ssyncadd.remote.s32 $0x1  }
0xbe: {  	_ =	sfence.sel $0xFFFF  }
0xbf: {  	[dreg:$0x0] =	wrdreg $0xFFFFFFFF;
	(pc) =	sbr.abs _section_cstart, $3  }
0xc0: {  	[dreg:$0x1] =	wrdreg $0xFFFFFFFF  }
0xc1: {  	_ =	task.clear_ibuf [dreg:s7], $0x2FFFF;
	_ =	strace $0x9FFFFFFF  }
0xc2: {  	(tm) =	ssettm $0x7FFFFFFF  }
0xc3: {  	_ =	shalt  }
tec
execute0_lowered:
.L_overlay_start_1:
0x0: {  	(tag) =	ssettag $0x1  }
0x1: {  	s1 =	srdreg.scid  }
0x2: {  	s0 =	stileid.u32;
	s9 =	sand.u32 $0x1, s1  }
0x3: {  	s11 =	rddreg [dreg:$0x0];
	s30 =	sshll.u32 s0, $0x4;
	s2 =	sshll.u32 s9, $0x3  }
0x4: {  	s14 =	rddreg [dreg:$0x1];
	s15 =	sor.u32 s2, s30  }
0x5: {  	s1 =	rddreg [dreg:$0x2];
	s2 =	simm.s32 $0x0;
	s3 =	sshrl.u32 s15, $0x3  }
0x6: {  	[smem:$0x7FF] =	sst s2;
	s3 =	sadd.s32 s3, s11  }
0x7: {  	_ =	strace $0x80000047;
	s4 =	sadd.s32 $0x1A00, s3;
	s3 =	simm.s32 $0x2  }
0x8: {  	[tilespmem:s2], [sflag:$0x2] =	stream.linear.gather [hbm4b:s4+s2], $0x8, $0x38;
	[tilespmem:$0x2080] =	vst v63  }
0x9: {  	_ =	swait.ge [sflag:s3], $0x8  }
0xa: {  	[sflag:s3] =	ssyncset.done $0x0  }
0xb: {  	[sflag:s3] =	ssyncadd.s32 $0xFFFFFFF8  }
0xc: {  	v0 =	vld.msk [tilespmem:$0x0], $0xff;
	_ =	sdelay $0x4  }
0xd: {  	v1 =	vshll.u32 v0, $0x3  }
0xe: {  	v2 =	vlaneseq.u32;
	v3 =	vand.u32 $0x7, v0;
	v1 =	vand.u32 $0xFFFFFFC0, v1  }
0xf: {  	v0 =	vand.u32 $0x7, v2;
	v2 =	vshrl.u32 v2, $0x3;
	v3 =	vor.u32 v3, v1  }
0x10: {  	v1 =	vmul.u32 $0x8, v2;
	v2 =	vperm.xlane v3, v0;
	_ =	sdelay $0x1  }
0x11: {  	v2 =	vadd.s32 v1, v2;
	_ =	sdelay $0x2  }
0x12: {  	s6 =	simm.s32 $0x80  }
0x13: {  	vm0 =	vmmov $0xffff;
	s8 =	simm.s32 $0x880;
	s5 =	sadd.s32 $0x1C00, s11;
	s16 =	ssub.s32 $0x2, s9  }
0x14: {  	[tilespmem:s6], [sflag:$0x1] =	stream.indirect_vreg.gather [hbm4b:s5+s2], $0x80, v2, vm0, $0xb8;
	[tilespmem:$0x2080] =	vst v63  }
0x15: {  	s10 =	simm.s32 $0x1080;
	s7 =	sadd.s32 $0x1D00, s11;
	s17 =	sshrl.u32 s16, $0x1  }
0x16: {  	[tilespmem:s8], [sflag:$0x1] =	stream.indirect_vreg.gather [hbm4b:s7+s2], $0x80, v2, vm0, $0xb8;
	[tilespmem:$0x2080] =	vst v63  }
0x17: {  	s12 =	simm.s32 $0x1880;
	s9 =	sadd.s32 $0x1E00, s11;
	s16 =	ssub.s32 s16, s17  }
0x18: {  	[tilespmem:s10], [sflag:$0x1] =	stream.indirect_vreg.gather [hbm4b:s9+s2], $0x80, v2, vm0, $0xb8;
	[tilespmem:$0x2080] =	vst v63  }
0x19: {  	s13 =	simm.s32 $0x1;
	s11 =	sadd.s32 $0x1F00, s11;
	s31 =	smax.u32 s16, $0x1  }
0x1a: {  	[tilespmem:s12], [sflag:$0x1] =	stream.indirect_vreg.gather [hbm4b:s11+s2], $0x80, v2, vm0, $0xb8;
	[tilespmem:$0x2080] =	vst v63  }
0x1b: {  	p0 =	sne.s32 s31, $0x1;
	_ =	swait.ge [sflag:s13], $0x2000  }
.Ltmp0:
0x1c: {  	s15 =	sshll.u32 s15, $0x7;
	[sflag:s13] =	ssyncset.done $0x0;
	(pc) =	sbr.rel @!p0 .LBB2_2-.Ltmp0, $4  }
0x1d: {  	s14 =	sadd.s32 s14, s15;
	[sflag:s13] =	ssyncadd.s32 $0xFFFFE000  }
0x1e: {  	[hbm4b:s14+s2] =	stream.linear.scatter [tilespmem:s6], [sflag:$0x2], $0x2000, $0x38;
	[tilespmem:$0x2080] =	vst v63  }
0x1f: {  	_ =	swait.ge [sflag:s3], $0x2000  }
0x20: {  	s15 =	sadd.s32 $0xFFFFFFFF, s31;
	[sflag:s3] =	ssyncset.done $0x0  }
.LBB2_1:
0x21: {  	p0 =	sne.s32 s15, $0x1;
	s15 =	sadd.s32 $0xFFFFFFFF, s15;
	[sflag:s3] =	ssyncadd.s32 $0xFFFFE000  }
0x22: {  	[tilespmem:s2], [sflag:$0x2] =	stream.linear.gather [hbm4b:s4+s2], $0x8, $0x38;
	[tilespmem:$0x2080] =	vst v63  }
0x23: {  	_ =	swait.ge [sflag:s3], $0x8  }
0x24: {  	[sflag:s3] =	ssyncset.done $0x0  }
0x25: {  	[sflag:s3] =	ssyncadd.s32 $0xFFFFFFF8  }
0x26: {  	v2 =	vld.msk [tilespmem:$0x0], $0xff;
	_ =	sdelay $0x4  }
0x27: {  	v3 =	vshll.u32 v2, $0x3  }
0x28: {  	v2 =	vand.u32 $0x7, v2;
	v3 =	vand.u32 $0xFFFFFFC0, v3  }
0x29: {  	v2 =	vor.u32 v2, v3  }
0x2a: {  	v2 =	vperm.xlane v2, v0;
	_ =	sdelay $0x1  }
0x2b: {  	v2 =	vadd.s32 v1, v2;
	_ =	sdelay $0x4  }
0x2c: {  	[tilespmem:s6], [sflag:$0x1] =	stream.indirect_vreg.gather [hbm4b:s5+s2], $0x80, v2, vm0, $0xb8;
	[tilespmem:$0x2080] =	vst v63  }
0x2d: {  	_ = 	snop  }
0x2e: {  	[tilespmem:s8], [sflag:$0x1] =	stream.indirect_vreg.gather [hbm4b:s7+s2], $0x80, v2, vm0, $0xb8;
	[tilespmem:$0x2080] =	vst v63  }
0x2f: {  	_ = 	snop  }
0x30: {  	[tilespmem:s10], [sflag:$0x1] =	stream.indirect_vreg.gather [hbm4b:s9+s2], $0x80, v2, vm0, $0xb8;
	[tilespmem:$0x2080] =	vst v63  }
0x31: {  	_ = 	snop  }
0x32: {  	[tilespmem:s12], [sflag:$0x1] =	stream.indirect_vreg.gather [hbm4b:s11+s2], $0x80, v2, vm0, $0xb8;
	[tilespmem:$0x2080] =	vst v63  }
0x33: {  	_ =	swait.ge [sflag:s13], $0x2000  }
.Ltmp1:
0x34: {  	[sflag:s13] =	ssyncset.done $0x0;
	(pc) =	sbr.rel @p0 .LBB2_1-.Ltmp1, $4  }
0x35: {  	[sflag:s13] =	ssyncadd.s32 $0xFFFFE000  }
0x36: {  	[hbm4b:s14+s2] =	stream.linear.scatter [tilespmem:s6], [sflag:$0x2], $0x2000, $0x38;
	[tilespmem:$0x2080] =	vst v63  }
0x37: {  	_ =	swait.ge [sflag:s3], $0x2000  }
0x38: {  	[sflag:s3] =	ssyncset.done $0x0  }
.LBB2_2:
0x39: {  	[sflag:s3] =	ssyncadd.s32 $0xFFFFE000  }
0x3a: {  	_ =	sfence.sel $0x180000  }
0x3b: {  	[bflag:$0x0] =	sbarrier.arrive $0xFFFF  }
0x3c: {  	p0 =	sne.s32 s0, $0x0;
	_ =	strace $0x90000047  }
0x3d: {  	s0 =	sadd.s32 @!p0 $0x100000, s1;
	[bflag:$0x2] =	sbarrier.arrive $0xFFFF  }
0x3e: {  	[sflag:s0] =	ssyncadd.tile.s32 @!p0 $0x1;
	_ =	shalt  }
.Lfunc_end2:
_tile_overlayer_lowered:
.L_overlay_start_2:
0x3f: {  	(tag) =	ssettag $0x2  }
0x40: {  	s0 =	rddreg [dreg:$0x0];
	s2 =	stileid.u32  }
0x41: {  	s1 =	rddreg [dreg:$0x1];
	p0 =	sne.s32 s2, $0x0  }
0x42: {  	s3 =	rddreg [dreg:$0x2];
	[bflag:$0x3] =	sbarrier.arrive $0xFFFF;
	s2 =	simm.s32 @!p0 $0x1C02  }
0x43: {  	[timem:s3], [sflag:s2] =	dma.local @!p0 [hbm:s0], s1  }
0x44: {  	s0 =	simm.s32 @!p0 $0x2  }
0x45: {  	_ =	swait.ge @!p0 [sflag:s0], s1  }
0x46: {  	s1 =	ssub.s32 @!p0 $0x0, s1;
	[sflag:s0] =	ssyncset.done @!p0 $0x0  }
0x47: {  	[sflag:s0] =	ssyncadd.s32 @!p0 s1  }
0x48: {  	[bflag:$0x3] =	sbarrier.arrive $0xFFFF  }
0x49: {  	_ =	shalt  }

</sc_bundles>
